<compile_context>
chip_gen: v7x
topology: tpu7x:2x2x1
jax: 0.10.2.dev20260603
libtpu: 0.0.44.dev20260713+nightly
codegen_flags: <defaults>
</compile_context>

<pallas_src>
import functools

import jax
import jax.numpy as jnp
from jax import lax
from jax.experimental import pallas as pl
from jax.experimental.pallas import tpu as pltpu
from jax.experimental.pallas import tpu_sc as plsc

NUM_NEURONS = 8192
INPUT_SIZE = 256
LANES = 16
SC_CORES = 2
SC_SUBCORES = 16
SC_WORKERS = SC_CORES * SC_SUBCORES
ROWS_PER_WORKER = NUM_NEURONS // SC_WORKERS
WORDS_PER_WORKER = ROWS_PER_WORKER * INPUT_SIZE
GROUPS = ROWS_PER_WORKER // LANES
CHUNKS = INPUT_SIZE // LANES

_GATHER_DNUMS = lax.GatherDimensionNumbers(
    offset_dims=(), collapsed_slice_dims=(0,), start_index_map=(0,))


def _take16(v, perm):
    return lax.gather(v, perm.reshape(LANES, 1), _GATHER_DNUMS,
                      slice_sizes=(1,),
                      mode=lax.GatherScatterMode.PROMISE_IN_BOUNDS)


def _fold_tree(accs, iota):
    vs = accs
    width = LANES
    while width > 1:
        half = width // 2
        perm = iota ^ half
        lane_lo = (iota & (width - 1)) < half
        nxt = []
        for i in range(0, len(vs), 2):
            a = vs[i] + _take16(vs[i], perm)
            b = vs[i + 1] + _take16(vs[i + 1], perm)
            nxt.append(jnp.where(lane_lo, a, _take16(b, perm)))
        vs = nxt
        width = half
    return vs[0]


def _sc_distance_body(x_hbm, val_out, idx_out, x_v, w_v, vmin_v,
                      vidx_v):
    c = lax.axis_index("c")
    s = lax.axis_index("s")
    wid = s * SC_CORES + c
    pltpu.sync_copy(x_hbm, x_v)

    iota = lax.iota(jnp.int32, LANES)
    bitrev = (((iota & 1) << 3) | ((iota & 2) << 1)
              | ((iota & 4) >> 1) | ((iota & 8) >> 3))
    neuron_base = wid * ROWS_PER_WORKER + bitrev

    xs = [x_v[pl.ds(k * LANES, LANES)] for k in range(CHUNKS)]

    def group_body(g, carry):
        vmin, vidx = carry
        base = g * (LANES * INPUT_SIZE)
        accs = [None] * LANES
        for k in range(CHUNKS):
            xk = xs[k]
            for j in range(LANES):
                d = w_v[pl.ds(base + j * INPUT_SIZE + k * LANES, LANES)] - xk
                sq = d * d
                accs[j] = sq if k == 0 else accs[j] + sq
        totals = _fold_tree(accs, iota)
        nid = neuron_base + g * LANES
        better = totals < vmin
        return (jnp.where(better, totals, vmin),
                jnp.where(better, nid, vidx))

    init = (jnp.full((LANES,), jnp.inf, jnp.float32),
            jnp.zeros((LANES,), jnp.int32))
    vmin, vidx = init
    vmin = vmin + x_v[pl.ds(0, LANES)]
    vmin_v[...] = vmin
    vidx_v[...] = vidx
    pltpu.sync_copy(vmin_v, val_out.at[wid])
    pltpu.sync_copy(vidx_v, idx_out.at[wid])


def _make_sc_distance():
    return functools.partial(
        pl.kernel,
        out_type=(
            jax.ShapeDtypeStruct((SC_WORKERS, LANES), jnp.float32),
            jax.ShapeDtypeStruct((SC_WORKERS, LANES), jnp.int32),
        ),
        mesh=plsc.VectorSubcoreMesh(
            core_axis_name="c", subcore_axis_name="s",
            num_cores=SC_CORES, num_subcores=SC_SUBCORES),
        scratch_types=[
            pltpu.VMEM((INPUT_SIZE,), jnp.float32),
            pltpu.VMEM((WORDS_PER_WORKER,), jnp.float32),
            pltpu.VMEM((LANES,), jnp.float32),
            pltpu.VMEM((LANES,), jnp.int32),
        ],
    )(_sc_distance_body)


def _merge_kernel(val_ref, idx_ref, out_ref):
    vals = val_ref[...]
    idxs = idx_ref[...]
    gmin = jnp.min(vals)
    cand = jnp.where(vals == gmin, idxs, NUM_NEURONS)
    gidx = jnp.min(cand)
    flat_iota = (
        jax.lax.broadcasted_iota(jnp.int32, (64, 128), 0) * 128
        + jax.lax.broadcasted_iota(jnp.int32, (64, 128), 1)
    )
    out_ref[...] = (flat_iota == gidx).astype(jnp.float32)


@jax.jit
def kernel(x, weights, thresholds):
    del thresholds
    vals, idxs = _make_sc_distance()(x)
    out = pl.pallas_call(
        _merge_kernel,
        out_shape=jax.ShapeDtypeStruct((64, 128), jnp.float32),
    )(vals, idxs)
    return out.reshape(NUM_NEURONS)

# --- scband reference (transcript-rebuilt; emitter-appended) ---
"""Pipeline reference for scband-spiking-feast-15839839387941 (READ-ONLY COPY).

The authoritative reference and input builder live on the scoring server;
editing this copy changes nothing except your own understanding.
"""

import jax, jax.numpy as jnp
import numpy as np

INPUT_SIZE = 256
NUM_NEURONS = 8192
F_OPEN = 0.01
LR_THRESH = 0.01
LR_WEIGHTS = 0.01
LR = 1.0


def setup_inputs(seed: int = 0) -> dict:
    key = jax.random.key(seed)
    k1, k2, k3 = jax.random.split(key, 3)
    x = jax.random.normal(k1, (INPUT_SIZE,), dtype=jnp.float32)
    weights = jax.random.normal(k2, (NUM_NEURONS, INPUT_SIZE), dtype=jnp.float32)
    thresholds = jax.random.normal(k3, (NUM_NEURONS,), dtype=jnp.float32)
    return {"x": x, "weights": weights, "thresholds": thresholds}


def reference(x, weights, thresholds):
    # values = ||weights - x|| per neuron (L2 norm over feature dim)
    diff = weights - x[None, :]
    values = jnp.sqrt(jnp.sum(diff * diff, axis=1))
    closest_neuron = jnp.argmin(values)
    eligible_neurons = values <= thresholds
    has_eligible_neuron = jnp.any(eligible_neurons).astype(jnp.float32)
    # thresholds += f_open * has_eligible_neuron (applied to all neurons)
    thresholds = thresholds + F_OPEN * has_eligible_neuron
    delta_thresh = values[closest_neuron] - thresholds[closest_neuron]
    delta_weights = x - weights[closest_neuron]
    thresholds = thresholds.at[closest_neuron].add(delta_thresh * LR_THRESH * LR)
    weights = weights.at[closest_neuron].add(delta_weights * LR_WEIGHTS * LR)
    # torch code re-computes argmin over the SAME (pre-update) values tensor
    closest_neuron2 = jnp.argmin(values)
    activation = jnp.zeros((NUM_NEURONS,), dtype=jnp.float32).at[closest_neuron2].set(1.0)
    return activation

if __name__ == "__main__":
    import jax
    _d = setup_inputs()
    print(jax.jit(kernel)(*tuple(_d.values())))

</pallas_src>

<mosaic_0001>
#map = affine_map<(d0, d1) -> (0)>
#map1 = affine_map<(d0, d1) -> (0, 0)>
module attributes {stable_mosaic.version = 14 : i64} {
  func.func @_sc_distance_body(%arg0: i32, %arg1: i32, %arg2: memref<256xf32, #tpu.memory_space<hbm>>, %arg3: memref<32x16xf32, #tpu.memory_space<hbm>>, %arg4: memref<32x16xi32, #tpu.memory_space<hbm>>, %arg5: memref<256xf32, #tpu.memory_space<vmem>>, %arg6: memref<65536xf32, #tpu.memory_space<vmem>>, %arg7: memref<16xf32, #tpu.memory_space<vmem>>, %arg8: memref<16xi32, #tpu.memory_space<vmem>>) attributes {dimension_semantics = [#tpu.dimension_semantics<core_parallel>, #tpu.dimension_semantics<subcore_parallel>], iteration_bounds = array<i64: 2, 16>, scalar_prefetch = 0 : i64, scratch_operands = 4 : i64, tpu.core_type = #tpu.core_type<sc_vector_subcore>, window_params = [{transform_indices = #map}, {transform_indices = #map1}, {transform_indices = #map1}]} {
    %mul3A = arith.constant 2 : i32
    %mul3A_0 = arith.muli %arg1, %mul3A : i32
    %add3A = arith.addi %mul3A_0, %arg0 : i32
    "tpu.region"() ({
      %run_scoped3A = tpu.sem_alloc : memref<!tpu.dma_semaphore, #tpu.memory_space<semaphore_mem>>
      tpu.enqueue_dma source(%arg2 : memref<256xf32, #tpu.memory_space<hbm>>) target(%arg5 : memref<256xf32, #tpu.memory_space<vmem>>) target_semaphore(%run_scoped3A : memref<!tpu.dma_semaphore, #tpu.memory_space<semaphore_mem>>)
      tpu.wait_dma2 semaphore(%run_scoped3A : memref<!tpu.dma_semaphore, #tpu.memory_space<semaphore_mem>>) src(%arg2 : memref<256xf32, #tpu.memory_space<hbm>>) dst(%arg5 : memref<256xf32, #tpu.memory_space<vmem>>)
      tpu.yield
    }) : () -> ()
    %iota3A = tpu.iota {dimensions = array<i32: 0>} : vector<16xi32>
    %and3A = arith.constant 1 : i32
    %and3A_1 = vector.broadcast %and3A : i32 to vector<16xi32>
    %and3A_2 = arith.andi %iota3A, %and3A_1 : vector<16xi32>
    %shift_left3A = arith.constant 3 : i32
    %shift_left3A_3 = vector.broadcast %shift_left3A : i32 to vector<16xi32>
    %shift_left3A_4 = arith.shli %and3A_2, %shift_left3A_3 : vector<16xi32>
    %and3A_5 = arith.constant 2 : i32
    %and3A_6 = vector.broadcast %and3A_5 : i32 to vector<16xi32>
    %and3A_7 = arith.andi %iota3A, %and3A_6 : vector<16xi32>
    %shift_left3A_8 = arith.constant 1 : i32
    %shift_left3A_9 = vector.broadcast %shift_left3A_8 : i32 to vector<16xi32>
    %shift_left3A_10 = arith.shli %and3A_7, %shift_left3A_9 : vector<16xi32>
    %or3A = arith.ori %shift_left3A_4, %shift_left3A_10 : vector<16xi32>
    %and3A_11 = arith.constant 4 : i32
    %and3A_12 = vector.broadcast %and3A_11 : i32 to vector<16xi32>
    %and3A_13 = arith.andi %iota3A, %and3A_12 : vector<16xi32>
    %shift_right_arithmetic3A = arith.constant 1 : i32
    %shift_right_arithmetic3A_14 = vector.broadcast %shift_right_arithmetic3A : i32 to vector<16xi32>
    %shift_right_arithmetic3A_15 = arith.shrsi %and3A_13, %shift_right_arithmetic3A_14 : vector<16xi32>
    %or3A_16 = arith.ori %or3A, %shift_right_arithmetic3A_15 : vector<16xi32>
    %and3A_17 = arith.constant 8 : i32
    %and3A_18 = vector.broadcast %and3A_17 : i32 to vector<16xi32>
    %and3A_19 = arith.andi %iota3A, %and3A_18 : vector<16xi32>
    %shift_right_arithmetic3A_20 = arith.constant 3 : i32
    %shift_right_arithmetic3A_21 = vector.broadcast %shift_right_arithmetic3A_20 : i32 to vector<16xi32>
    %shift_right_arithmetic3A_22 = arith.shrsi %and3A_19, %shift_right_arithmetic3A_21 : vector<16xi32>
    %or3A_23 = arith.ori %or3A_16, %shift_right_arithmetic3A_22 : vector<16xi32>
    %mul3A_24 = arith.constant 256 : i32
    %mul3A_25 = arith.muli %add3A, %mul3A_24 : i32
    %add3A_26 = vector.broadcast %mul3A_25 : i32 to vector<16xi32>
    %add3A_27 = arith.addi %add3A_26, %or3A_23 : vector<16xi32>
    %get3A = arith.constant 0 : index
    %get3A_28 = tpu.vector_load %arg5[%get3A] {strides = array<i32>} : memref<256xf32, #tpu.memory_space<vmem>>, vector<16xf32>,
    %get3A_29 = vector.shape_cast %get3A_28 : vector<16xf32> to vector<16xf32>
    %get3A_30 = arith.constant 16 : index
    %get3A_31 = tpu.vector_load %arg5[%get3A_30] {strides = array<i32>} : memref<256xf32, #tpu.memory_space<vmem>>, vector<16xf32>,
    %get3A_32 = vector.shape_cast %get3A_31 : vector<16xf32> to vector<16xf32>
    %get3A_33 = arith.constant 32 : index
    %get3A_34 = tpu.vector_load %arg5[%get3A_33] {strides = array<i32>} : memref<256xf32, #tpu.memory_space<vmem>>, vector<16xf32>,
    %get3A_35 = vector.shape_cast %get3A_34 : vector<16xf32> to vector<16xf32>
    %get3A_36 = arith.constant 48 : index
    %get3A_37 = tpu.vector_load %arg5[%get3A_36] {strides = array<i32>} : memref<256xf32, #tpu.memory_space<vmem>>, vector<16xf32>,
    %get3A_38 = vector.shape_cast %get3A_37 : vector<16xf32> to vector<16xf32>
    %get3A_39 = arith.constant 64 : index
    %get3A_40 = tpu.vector_load %arg5[%get3A_39] {strides = array<i32>} : memref<256xf32, #tpu.memory_space<vmem>>, vector<16xf32>,
    %get3A_41 = vector.shape_cast %get3A_40 : vector<16xf32> to vector<16xf32>
    %get3A_42 = arith.constant 80 : index
    %get3A_43 = tpu.vector_load %arg5[%get3A_42] {strides = array<i32>} : memref<256xf32, #tpu.memory_space<vmem>>, vector<16xf32>,
    %get3A_44 = vector.shape_cast %get3A_43 : vector<16xf32> to vector<16xf32>
    %get3A_45 = arith.constant 96 : index
    %get3A_46 = tpu.vector_load %arg5[%get3A_45] {strides = array<i32>} : memref<256xf32, #tpu.memory_space<vmem>>, vector<16xf32>,
    %get3A_47 = vector.shape_cast %get3A_46 : vector<16xf32> to vector<16xf32>
    %get3A_48 = arith.constant 112 : index
    %get3A_49 = tpu.vector_load %arg5[%get3A_48] {strides = array<i32>} : memref<256xf32, #tpu.memory_space<vmem>>, vector<16xf32>,
    %get3A_50 = vector.shape_cast %get3A_49 : vector<16xf32> to vector<16xf32>
    %get3A_51 = arith.constant 128 : index
    %get3A_52 = tpu.vector_load %arg5[%get3A_51] {strides = array<i32>} : memref<256xf32, #tpu.memory_space<vmem>>, vector<16xf32>,
    %get3A_53 = vector.shape_cast %get3A_52 : vector<16xf32> to vector<16xf32>
    %get3A_54 = arith.constant 144 : index
    %get3A_55 = tpu.vector_load %arg5[%get3A_54] {strides = array<i32>} : memref<256xf32, #tpu.memory_space<vmem>>, vector<16xf32>,
    %get3A_56 = vector.shape_cast %get3A_55 : vector<16xf32> to vector<16xf32>
    %get3A_57 = arith.constant 160 : index
    %get3A_58 = tpu.vector_load %arg5[%get3A_57] {strides = array<i32>} : memref<256xf32, #tpu.memory_space<vmem>>, vector<16xf32>,
    %get3A_59 = vector.shape_cast %get3A_58 : vector<16xf32> to vector<16xf32>
    %get3A_60 = arith.constant 176 : index
    %get3A_61 = tpu.vector_load %arg5[%get3A_60] {strides = array<i32>} : memref<256xf32, #tpu.memory_space<vmem>>, vector<16xf32>,
    %get3A_62 = vector.shape_cast %get3A_61 : vector<16xf32> to vector<16xf32>
    %get3A_63 = arith.constant 192 : index
    %get3A_64 = tpu.vector_load %arg5[%get3A_63] {strides = array<i32>} : memref<256xf32, #tpu.memory_space<vmem>>, vector<16xf32>,
    %get3A_65 = vector.shape_cast %get3A_64 : vector<16xf32> to vector<16xf32>
    %get3A_66 = arith.constant 208 : index
    %get3A_67 = tpu.vector_load %arg5[%get3A_66] {strides = array<i32>} : memref<256xf32, #tpu.memory_space<vmem>>, vector<16xf32>,
    %get3A_68 = vector.shape_cast %get3A_67 : vector<16xf32> to vector<16xf32>
    %get3A_69 = arith.constant 224 : index
    %get3A_70 = tpu.vector_load %arg5[%get3A_69] {strides = array<i32>} : memref<256xf32, #tpu.memory_space<vmem>>, vector<16xf32>,
    %get3A_71 = vector.shape_cast %get3A_70 : vector<16xf32> to vector<16xf32>
    %get3A_72 = arith.constant 240 : index
    %get3A_73 = tpu.vector_load %arg5[%get3A_72] {strides = array<i32>} : memref<256xf32, #tpu.memory_space<vmem>>, vector<16xf32>,
    %get3A_74 = vector.shape_cast %get3A_73 : vector<16xf32> to vector<16xf32>
    %broadcast_in_dim3A = arith.constant 0x7F800000 : f32
    %broadcast_in_dim3A_75 = vector.broadcast %broadcast_in_dim3A : f32 to vector<16xf32>
    %broadcast_in_dim3A_76 = arith.constant 0 : i32
    %broadcast_in_dim3A_77 = vector.broadcast %broadcast_in_dim3A_76 : i32 to vector<16xi32>
    %get3A_78 = arith.constant 0 : index
    %get3A_79 = tpu.vector_load %arg5[%get3A_78] {strides = array<i32>} : memref<256xf32, #tpu.memory_space<vmem>>, vector<16xf32>,
    %get3A_80 = vector.shape_cast %get3A_79 : vector<16xf32> to vector<16xf32>
    %add3A_81 = arith.addf %broadcast_in_dim3A_75, %get3A_80 : vector<16xf32>
    %swap3A = arith.constant 0 : index
    %swap3A_82 = tpu.vector_load %arg7[%swap3A] {strides = array<i32>} : memref<16xf32, #tpu.memory_space<vmem>>, vector<16xf32>,
    %swap3A_83 = vector.shape_cast %swap3A_82 : vector<16xf32> to vector<16xf32>
    %swap3A_84 = vector.shape_cast %add3A_81 : vector<16xf32> to vector<16xf32>
    tpu.vector_store %arg7[%swap3A], %swap3A_84 {strides = array<i32>} : memref<16xf32, #tpu.memory_space<vmem>>, vector<16xf32>,
    %swap3A_85 = arith.constant 0 : index
    %swap3A_86 = tpu.vector_load %arg8[%swap3A_85] {strides = array<i32>} : memref<16xi32, #tpu.memory_space<vmem>>, vector<16xi32>,
    %swap3A_87 = vector.shape_cast %swap3A_86 : vector<16xi32> to vector<16xi32>
    %swap3A_88 = vector.shape_cast %broadcast_in_dim3A_77 : vector<16xi32> to vector<16xi32>
    tpu.vector_store %arg8[%swap3A_85], %swap3A_88 {strides = array<i32>} : memref<16xi32, #tpu.memory_space<vmem>>, vector<16xi32>,
    "tpu.region"() ({
      %run_scoped3A = tpu.sem_alloc : memref<!tpu.dma_semaphore, #tpu.memory_space<semaphore_mem>>
      %dma_start3A = arith.constant 0 : i32
      %dma_start3A_89 = tpu.memref_slice %arg3[%add3A, %dma_start3A] : memref<32x16xf32, #tpu.memory_space<hbm>> -> memref<1x16xf32, #tpu.memory_space<hbm>>
      %dma_start3A_90 = tpu.memref_squeeze %dma_start3A_89 : memref<1x16xf32, #tpu.memory_space<hbm>> -> memref<16xf32, #tpu.memory_space<hbm>>
      %dma_start3A_91 = arith.constant 0 : i32
      %dma_start3A_92 = tpu.memref_slice %arg3[%add3A, %dma_start3A_91] : memref<32x16xf32, #tpu.memory_space<hbm>> -> memref<1x16xf32, #tpu.memory_space<hbm>>
      %dma_start3A_93 = tpu.memref_squeeze %dma_start3A_92 : memref<1x16xf32, #tpu.memory_space<hbm>> -> memref<16xf32, #tpu.memory_space<hbm>>
      tpu.enqueue_dma source(%arg7 : memref<16xf32, #tpu.memory_space<vmem>>) target(%dma_start3A_93 : memref<16xf32, #tpu.memory_space<hbm>>) target_semaphore(%run_scoped3A : memref<!tpu.dma_semaphore, #tpu.memory_space<semaphore_mem>>)
      %dma_wait3A = arith.constant 0 : i32
      %dma_wait3A_94 = tpu.memref_slice %arg3[%add3A, %dma_wait3A] : memref<32x16xf32, #tpu.memory_space<hbm>> -> memref<1x16xf32, #tpu.memory_space<hbm>>
      %dma_wait3A_95 = tpu.memref_squeeze %dma_wait3A_94 : memref<1x16xf32, #tpu.memory_space<hbm>> -> memref<16xf32, #tpu.memory_space<hbm>>
      %dma_wait3A_96 = arith.constant 0 : i32
      %dma_wait3A_97 = tpu.memref_slice %arg3[%add3A, %dma_wait3A_96] : memref<32x16xf32, #tpu.memory_space<hbm>> -> memref<1x16xf32, #tpu.memory_space<hbm>>
      %dma_wait3A_98 = tpu.memref_squeeze %dma_wait3A_97 : memref<1x16xf32, #tpu.memory_space<hbm>> -> memref<16xf32, #tpu.memory_space<hbm>>
      tpu.wait_dma2 semaphore(%run_scoped3A : memref<!tpu.dma_semaphore, #tpu.memory_space<semaphore_mem>>) src(%arg7 : memref<16xf32, #tpu.memory_space<vmem>>) dst(%dma_wait3A_98 : memref<16xf32, #tpu.memory_space<hbm>>)
      tpu.yield
    }) : () -> ()
    "tpu.region"() ({
      %run_scoped3A = tpu.sem_alloc : memref<!tpu.dma_semaphore, #tpu.memory_space<semaphore_mem>>
      %dma_start3A = arith.constant 0 : i32
      %dma_start3A_89 = tpu.memref_slice %arg4[%add3A, %dma_start3A] : memref<32x16xi32, #tpu.memory_space<hbm>> -> memref<1x16xi32, #tpu.memory_space<hbm>>
      %dma_start3A_90 = tpu.memref_squeeze %dma_start3A_89 : memref<1x16xi32, #tpu.memory_space<hbm>> -> memref<16xi32, #tpu.memory_space<hbm>>
      %dma_start3A_91 = arith.constant 0 : i32
      %dma_start3A_92 = tpu.memref_slice %arg4[%add3A, %dma_start3A_91] : memref<32x16xi32, #tpu.memory_space<hbm>> -> memref<1x16xi32, #tpu.memory_space<hbm>>
      %dma_start3A_93 = tpu.memref_squeeze %dma_start3A_92 : memref<1x16xi32, #tpu.memory_space<hbm>> -> memref<16xi32, #tpu.memory_space<hbm>>
      tpu.enqueue_dma source(%arg8 : memref<16xi32, #tpu.memory_space<vmem>>) target(%dma_start3A_93 : memref<16xi32, #tpu.memory_space<hbm>>) target_semaphore(%run_scoped3A : memref<!tpu.dma_semaphore, #tpu.memory_space<semaphore_mem>>)
      %dma_wait3A = arith.constant 0 : i32
      %dma_wait3A_94 = tpu.memref_slice %arg4[%add3A, %dma_wait3A] : memref<32x16xi32, #tpu.memory_space<hbm>> -> memref<1x16xi32, #tpu.memory_space<hbm>>
      %dma_wait3A_95 = tpu.memref_squeeze %dma_wait3A_94 : memref<1x16xi32, #tpu.memory_space<hbm>> -> memref<16xi32, #tpu.memory_space<hbm>>
      %dma_wait3A_96 = arith.constant 0 : i32
      %dma_wait3A_97 = tpu.memref_slice %arg4[%add3A, %dma_wait3A_96] : memref<32x16xi32, #tpu.memory_space<hbm>> -> memref<1x16xi32, #tpu.memory_space<hbm>>
      %dma_wait3A_98 = tpu.memref_squeeze %dma_wait3A_97 : memref<1x16xi32, #tpu.memory_space<hbm>> -> memref<16xi32, #tpu.memory_space<hbm>>
      tpu.wait_dma2 semaphore(%run_scoped3A : memref<!tpu.dma_semaphore, #tpu.memory_space<semaphore_mem>>) src(%arg8 : memref<16xi32, #tpu.memory_space<vmem>>) dst(%dma_wait3A_98 : memref<16xi32, #tpu.memory_space<hbm>>)
      tpu.yield
    }) : () -> ()
    return
  }
}

module attributes {stable_mosaic.version = 14 : i64} {
  func.func @_merge_kernel(%arg0: memref<32x16xf32, #tpu.memory_space<vmem>>, %arg1: memref<32x16xi32, #tpu.memory_space<vmem>>, %arg2: memref<64x128xf32, #tpu.memory_space<vmem>>) attributes {dimension_semantics = [], scalar_prefetch = 0 : i64, scratch_operands = 0 : i64, tpu.core_type = #tpu.core_type<tc>} {
    %get3A = arith.constant 0 : index
    %get3A_0 = arith.constant 0 : index
    %get3A_1 = vector.load %arg0[%get3A, %get3A_0] : memref<32x16xf32, #tpu.memory_space<vmem>>, vector<32x16xf32>
    %get3A_2 = arith.constant 0 : index
    %get3A_3 = arith.constant 0 : index
    %get3A_4 = vector.load %arg1[%get3A_2, %get3A_3] : memref<32x16xi32, #tpu.memory_space<vmem>>, vector<32x16xi32>
    %reduce_min3A = vector.shape_cast %get3A_1 : vector<32x16xf32> to vector<1x32x16xf32>
    %reduce_min3A_5 = arith.constant dense<0x7F800000> : vector<1xf32>
    %reduce_min3A_6 = vector.multi_reduction <minimumf>, %reduce_min3A, %reduce_min3A_5 [1, 2] : vector<1x32x16xf32> to vector<1xf32>
    %reduce_min3A_7 = vector.shape_cast %reduce_min3A_6 : vector<1xf32> to vector<1x1x1xf32>
    %reduce_min3A_8 = vector.extract %reduce_min3A_7[0, 0, 0] : f32 from vector<1x1x1xf32>
    %eq3A = vector.broadcast %reduce_min3A_8 : f32 to vector<32x16xf32>
    %eq3A_9 = arith.cmpf oeq, %get3A_1, %eq3A : vector<32x16xf32>
    %jit3A = arith.constant 8192 : i32
    %broadcast_in_dim3A = vector.broadcast %jit3A : i32 to vector<32x16xi32>
    %select_n3A = arith.select %eq3A_9, %get3A_4, %broadcast_in_dim3A : vector<32x16xi1>, vector<32x16xi32>
    %reduce_min3A_10 = vector.shape_cast %select_n3A : vector<32x16xi32> to vector<1x32x16xi32>
    %reduce_min3A_11 = arith.constant dense<2147483647> : vector<1xi32>
    %reduce_min3A_12 = vector.multi_reduction <minsi>, %reduce_min3A_10, %reduce_min3A_11 [1, 2] : vector<1x32x16xi32> to vector<1xi32>
    %reduce_min3A_13 = vector.shape_cast %reduce_min3A_12 : vector<1xi32> to vector<1x1x1xi32>
    %reduce_min3A_14 = vector.extract %reduce_min3A_13[0, 0, 0] : i32 from vector<1x1x1xi32>
    %iota3A = tpu.iota {dimensions = array<i32: 0>} : vector<64x128xi32>
    %mul3A = arith.constant 128 : i32
    %mul3A_15 = vector.broadcast %mul3A : i32 to vector<64x128xi32>
    %mul3A_16 = arith.muli %iota3A, %mul3A_15 : vector<64x128xi32>
    %iota3A_17 = tpu.iota {dimensions = array<i32: 1>} : vector<64x128xi32>
    %add3A = arith.addi %mul3A_16, %iota3A_17 : vector<64x128xi32>
    %eq3A_18 = vector.broadcast %reduce_min3A_14 : i32 to vector<64x128xi32>
    %eq3A_19 = arith.cmpi eq, %add3A, %eq3A_18 : vector<64x128xi32>
    %convert_element_type3A = arith.extui %eq3A_19 : vector<64x128xi1> to vector<64x128xi32>
    %convert_element_type3A_20 = arith.sitofp %convert_element_type3A : vector<64x128xi32> to vector<64x128xf32>
    %swap3A = arith.constant 0 : index
    %swap3A_21 = arith.constant 0 : index
    %swap3A_22 = vector.load %arg2[%swap3A, %swap3A_21] : memref<64x128xf32, #tpu.memory_space<vmem>>, vector<64x128xf32>
    tpu.vector_store %arg2[%swap3A, %swap3A_21], %convert_element_type3A_20 {strides = array<i32>} : memref<64x128xf32, #tpu.memory_space<vmem>>, vector<64x128xf32>,
    return
  }
}

</mosaic_0001>

<sc_bundles>
// kernel: kernel.4.cloned.1.call-start
scs
__scs_entry_jumppad:
0x0: {  	(pc) =	sbr.rel $0x88, $3  }
0x1: {  	(tag) =	ssettag $0x0;
	lr =	simm.s32 $0x1  }
0x2: {  	[smem:$0x3FA0] =	sst lr;
	_ =	strace $0xD0000000  }
0x3: {  	_ = 	snop  }
0x4: {  	_ = 	snop  }
0x5: {  	_ = 	snop  }
0x6: {  	_ = 	snop  }
0x7: {  	_ = 	snop  }
__scs_overlays_trampoline_lowered:
0x8: {  	[smem:$0x3FAF] =	sst s0  }
0x9: {  	[smem:$0x3FB0] =	sst s1  }
0xa: {  	[smem:$0x3FB1] =	sst s2  }
0xb: {  	[smem:$0x3FB2] =	sst s3  }
0xc: {  	[smem:$0x3FB3] =	sst s4  }
0xd: {  	[smem:$0x3FB4] =	sst s5  }
0xe: {  	[smem:$0x3FB5] =	sst s6  }
0xf: {  	[smem:$0x3FB6] =	sst s7  }
0x10: {  	[smem:$0x3FB7] =	sst s8  }
0x11: {  	[smem:$0x3FB8] =	sst s9;
	s0 =	simm.s32 @!p0 $0x0  }
0x12: {  	s1 =	sld [smem:$0x3F9E];
	s0 =	simm.s32 @p0 $0x1  }
0x13: {  	[smem:$0x3FB9] =	sst s0;
	s0 =	simm.s32 @!p1 $0x0  }
0x14: {  	s2 =	sld [smem:$0x3F9D];
	s0 =	simm.s32 @p1 $0x1  }
0x15: {  	[smem:$0x3FBA] =	sst s0;
	s0 =	simm.s32 @!p2 $0x0  }
0x16: {  	s3 =	sld [smem:$0x3FDB];
	s0 =	simm.s32 @p2 $0x1  }
0x17: {  	s4 =	simm.s32 $0x1BF5;
	[smem:$0x3FBC] =	sst s0  }
0x18: {  	s0 =	sld [smem:$0x3F9F];
	_ =	swait.ge [sflag:s4], $0x0  }
0x19: {  	s7 =	sld [smem:$0x3FA0]  }
0x1a: {  	s8 =	sadd.s32 $0xFFFFE003, lr  }
0x1b: {  	s9 =	sadd.s32 $0xFFFFFEF7, lr;
	s5 =	simm.s32 $0xFFFFFFFF;
	p2 =	slt.u32 s8, $0xFFFFF086  }
0x1c: {  	p1 =	slt.u32 s9, $0xF7A;
	s5 =	simm.s32 @!p2 $0x0  }
0x1d: {  	s5 =	simm.s32 @p1 $0x1;
	p0 =	seq.s32 s7, s2  }
0x1e: {  	s7 =	smul.u32 @!p0 $0xF7A, s2;
	p2 =	seq.s32 @!p0 s5, $0x0  }
0x1f: {  	s9 =	smul.u32 $0xF7A, s1;
	s8 =	simm.s32 @!p0 $0x1BF5;
	p2 =	por !p2, p0  }
0x20: {  	[sflag:s8] =	ssyncset.s32 @!p0 $0xFFFFF086;
	s6 =	sadd.s32 @!p0 s3, s7;
	s7 =	simm.s32 @!p0 $0x108  }
0x21: {  	s3 =	sadd.s32 s3, s9;
	s6 =	sadd.s32 @!p0 $0x88, s6;
	s7 =	simm.s32 @p2 $0x1082  }
0x22: {  	[simem:s7], [sflag:s8] =	dma.local @!p0 [hbm:s6], $0xF7A  }
0x23: {  	s9 =	sor.u32 $0xD0000000, s2;
	s6 =	simm.s32 $0x108;
	_ =	swait.ge @!p0 [sflag:s8], $0x0  }
0x24: {  	s3 =	sadd.s32 $0x88, s3;
	s6 =	simm.s32 @!p1 $0x1082;
	[sflag:s4] =	ssyncset.s32 $0xFFFFF086  }
0x25: {  	[simem:s6], [sflag:s4] =	dma.local [hbm:s3], $0xF7A  }
0x26: {  	[smem:$0x3FA0] =	sst s1;
	(tag) =	ssettag s2;
	_ =	strace s9  }
0x27: {  	s1 =	sld [smem:$0x3FB0]  }
0x28: {  	s2 =	sld [smem:$0x3FB1]  }
0x29: {  	s4 =	sld [smem:$0x3FB3]  }
0x2a: {  	p0 =	seq.s32 s5, $0x0;
	s5 =	sld [smem:$0x3FB4]  }
0x2b: {  	s6 =	sld [smem:$0x3FB5]  }
0x2c: {  	s7 =	sld [smem:$0x3FB6]  }
0x2d: {  	s3 =	simm.s32 $0x108;
	s8 =	sld [smem:$0x3FB7]  }
0x2e: {  	s3 =	simm.s32 @!p0 $0x1082;
	s9 =	sld [smem:$0x3FB8]  }
0x2f: {  	lr =	sadd.s32 s0, s3;
	s0 =	sld [smem:$0x3FAF]  }
0x30: {  	s3 =	sld [smem:$0x3FB2]  }
0x31: {  	[smem:$0x3FBB] =	sst s10  }
0x32: {  	s10 =	sld [smem:$0x3FB9];
	_ =	sdelay $0x3  }
0x33: {  	p0 =	seq.s32 s10, $0x1;
	s10 =	sld [smem:$0x3FBB];
	_ =	sdelay $0x3  }
0x34: {  	[smem:$0x3FBB] =	sst s10  }
0x35: {  	s10 =	sld [smem:$0x3FBA];
	_ =	sdelay $0x3  }
0x36: {  	p1 =	seq.s32 s10, $0x1;
	s10 =	sld [smem:$0x3FBB];
	_ =	sdelay $0x3  }
0x37: {  	[smem:$0x3FBB] =	sst s10  }
0x38: {  	s10 =	sld [smem:$0x3FBC]  }
0x39: {  	_ = 	snop;
	(pc) =	sbr.ind lr, $3  }
0x3a: {  	_ = 	snop  }
0x3b: {  	_ = 	snop  }
0x3c: {  	p2 =	seq.s32 s10, $0x1;
	s10 =	sld [smem:$0x3FBB]  }
0x3d: {  	_ =	shalt  }
0x3e: {  	_ =	shalt  }
0x3f: {  	_ =	shalt  }
0x40: {  	_ =	shalt  }
0x41: {  	_ =	shalt  }
0x42: {  	_ =	shalt  }
0x43: {  	_ =	shalt  }
0x44: {  	_ =	shalt  }
0x45: {  	_ =	shalt  }
0x46: {  	_ =	shalt  }
0x47: {  	_ =	shalt  }
0x48: {  	_ =	shalt  }
0x49: {  	_ =	shalt  }
0x4a: {  	_ =	shalt  }
0x4b: {  	_ =	shalt  }
0x4c: {  	_ =	shalt  }
0x4d: {  	_ =	shalt  }
0x4e: {  	_ =	shalt  }
0x4f: {  	_ =	shalt  }
0x50: {  	_ =	shalt  }
0x51: {  	_ =	shalt  }
0x52: {  	_ =	shalt  }
0x53: {  	_ =	shalt  }
0x54: {  	_ =	shalt  }
0x55: {  	_ =	shalt  }
0x56: {  	_ =	shalt  }
0x57: {  	_ =	shalt  }
0x58: {  	_ =	shalt  }
0x59: {  	_ =	shalt  }
0x5a: {  	_ =	shalt  }
0x5b: {  	_ =	shalt  }
0x5c: {  	_ =	shalt  }
0x5d: {  	_ =	shalt  }
0x5e: {  	_ =	shalt  }
0x5f: {  	_ =	shalt  }
0x60: {  	_ =	shalt  }
0x61: {  	_ =	shalt  }
0x62: {  	_ =	shalt  }
0x63: {  	_ =	shalt  }
0x64: {  	_ =	shalt  }
0x65: {  	_ =	shalt  }
0x66: {  	_ =	shalt  }
0x67: {  	_ =	shalt  }
0x68: {  	_ =	shalt  }
0x69: {  	_ =	shalt  }
0x6a: {  	_ =	shalt  }
0x6b: {  	_ =	shalt  }
0x6c: {  	_ =	shalt  }
0x6d: {  	_ =	shalt  }
0x6e: {  	_ =	shalt  }
0x6f: {  	_ =	shalt  }
0x70: {  	_ =	shalt  }
0x71: {  	_ =	shalt  }
0x72: {  	_ =	shalt  }
0x73: {  	_ =	shalt  }
0x74: {  	_ =	shalt  }
0x75: {  	_ =	shalt  }
0x76: {  	_ =	shalt  }
0x77: {  	_ =	shalt  }
0x78: {  	_ =	shalt  }
0x79: {  	_ =	shalt  }
0x7a: {  	_ =	shalt  }
0x7b: {  	_ =	shalt  }
0x7c: {  	_ =	shalt  }
0x7d: {  	_ =	shalt  }
0x7e: {  	_ =	shalt  }
0x7f: {  	_ =	shalt  }
0x80: {  	_ =	shalt  }
0x81: {  	_ =	shalt  }
0x82: {  	_ =	shalt  }
0x83: {  	_ =	shalt  }
0x84: {  	_ =	shalt  }
0x85: {  	_ =	shalt  }
0x86: {  	_ =	shalt  }
0x87: {  	_ =	shalt  }
.Lfunc_end0:
.L_simem_size_0:
called_computation_lowered:
.L_overlay_start_0:
0x88: {  	s2 =	sld [smem:$0x3FD9]  }
0x89: {  	s3 =	sld [smem:$0x3FFE];
	_ =	sdelay $0x1  }
0x8a: {  	s1 =	srdreg.scid  }
0x8b: {  	s0 =	sand.u32 $0x1, s1  }
0x8c: {  	s17 =	sshll.u32 s0, $0xA;
	s2 =	sadd.s32 s3, s2  }
0x8d: {  	s2 =	sadd.s32 s2, s17  }
0x8e: {  	[smem:$0x3FC7] =	sst s2  }
0x8f: {  	_ = 	snop  }
0x90: {  	s2 =	sld [smem:$0x3FC9]  }
0x91: {  	s18 =	sld [smem:$0x3FD0];
	(tm) =	ssettm $0x1  }
0x92: {  	s4 =	sld [smem:$0x3FFB];
	_ =	sdelay $0x3  }
0x93: {  	_ =	strace s4  }
0x94: {  	s4 =	sld [smem:$0x3FFC];
	_ =	sdelay $0x3  }
0x95: {  	_ =	strace s4  }
0x96: {  	s4 =	sld [smem:$0x3FFD];
	_ =	sdelay $0x3  }
0x97: {  	_ =	strace s4  }
0x98: {  	_ =	strace $0x8FFFFFFF  }
0x99: {  	s19 =	sld [smem:$0x3FDB];
	_ =	sdelay $0x1  }
0x9a: {  	s5 =	simm.s32 $_scs_section_size  }
0x9b: {  	s6 =	simm.s32 $_size__tile_overlayer_lowered;
	s7 =	simm.s32 $_tile_overlayer_lowered  }
0x9c: {  	s22 =	simm.s32 $0x1BFF;
	s21 =	sshll.u32 s7, $0x1;
	s4 =	sadd.s32 s5, s19  }
0x9d: {  	s8 =	simm.s32 $0x0;
	s20 =	sshll.u32 s6, $0x1;
	s6 =	sadd.s32 s21, s4  }
0x9e: {  	[timem:s8], [sflag:s22] =	dma.local [hbm:s6], s20  }
0x9f: {  	_ =	swait.ge [sflag:s22], s20  }
0xa0: {  	s5 =	ssub.s32 $0x0, s20;
	[sflag:s22] =	ssyncset.done $0x0  }
0xa1: {  	[sflag:s22] =	ssyncadd.s32 s5;
	_ =	sdelay $0x1  }
0xa2: {  	s23 =	simm.s32 $0x1B8B  }
0xa3: {  	_ =	swait.ge [sflag:s23], $0x1  }
0xa4: {  	[sflag:s23] =	ssyncset.done $0x0  }
0xa5: {  	s25 =	simm.s32 $0x1B8E;
	s24 =	sld [smem:$0x3FFE];
	[sflag:s23] =	ssyncadd.s32 $0xFFFFFFFF  }
0xa6: {  	s26 =	simm.s32 $execute0_lowered;
	[smem:$0x3FD2] =	sst s25  }
0xa7: {  	s6 =	sshll.u32 s26, $0x1;
	_ =	strace $0x80000046;
	[dreg:$0x1] =	wrdreg $0xFFFFFFFF  }
0xa8: {  	s28 =	simm.s32 $_size_execute0_lowered;
	s4 =	sadd.s32 s4, s6;
	[dreg:$0x0] =	wrdreg $0x0  }
0xa9: {  	s6 =	sshll.u32 s28, $0x1;
	[dreg:$0x2] =	wrdreg s4  }
0xaa: {  	[dreg:$0x3] =	wrdreg s6  }
0xab: {  	[dreg:$0x4] =	wrdreg $0xC0  }
0xac: {  	_ =	task [dreg:s8], $0x5FFFF  }
0xad: {  	[dreg:$0x1] =	wrdreg $0xFFFFFFFF  }
0xae: {  	[dreg:$0x0] =	wrdreg $0x60  }
0xaf: {  	[dreg:$0x2] =	wrdreg s2  }
0xb0: {  	[dreg:$0x3] =	wrdreg s18  }
0xb1: {  	[dreg:$0x4] =	wrdreg s24  }
0xb2: {  	[dreg:$0x5] =	wrdreg $0x9  }
0xb3: {  	_ =	task.clear_ibuf [dreg:s8], $0x6FFFF;
	_ =	strace $0x90000046  }
0xb4: {  	s29 =	simm.s32 $0x9;
	_ =	strace $0x80000048  }
0xb5: {  	_ =	swait.ge [sflag:s29], $0x1  }
0xb6: {  	[sflag:s29] =	ssyncadd.s32 $0xFFFFFFFF  }
0xb7: {  	_ =	strace $0x90000048  }
0xb8: {  	_ =	sfence  }
0xb9: {  	s30 =	sld [smem:$0x0];
	_ =	sdelay $0x2  }
0xba: {  	s31 =	sshll.u32 s1, $0xD;
	s1 =	sshrl.u32 s1, $0x2  }
0xbb: {  	s3 =	sand.u32 $0x4000, s31;
	s1 =	sadd.s32 s1, s30  }
0xbc: {  	s0 =	sor.u32 s3, s0;
	s1 =	sshll.u32 s1, $0x11  }
0xbd: {  	s0 =	sor.u32 s1, s0  }
0xbe: {  	s0 =	sadd.s32 $0x8F2B, s0  }
0xbf: {  	[sflag:s0] =	ssyncadd.remote.s32 $0x1  }
0xc0: {  	_ =	sfence.sel $0xFFFF  }
0xc1: {  	[dreg:$0x0] =	wrdreg $0xFFFFFFFF;
	(pc) =	sbr.abs _section_cstart, $3  }
0xc2: {  	[dreg:$0x1] =	wrdreg $0xFFFFFFFF  }
0xc3: {  	_ =	task.clear_ibuf [dreg:s8], $0x2FFFF;
	_ =	strace $0x9FFFFFFF  }
0xc4: {  	(tm) =	ssettm $0x7FFFFFFF  }
0xc5: {  	_ =	shalt  }
tec
execute0_lowered:
.L_overlay_start_1:
0x0: {  	(tag) =	ssettag $0x1  }
0x1: {  	s1 =	rddreg [dreg:$0x0]  }
0x2: {  	s5 =	rddreg [dreg:$0x1]  }
0x3: {  	s7 =	rddreg [dreg:$0x2];
	s2 =	simm.s32 $0x0  }
0x4: {  	[smem:$0x7FF] =	sst s2  }
0x5: {  	s0 =	rddreg [dreg:$0x3];
	s3 =	simm.s32 $0x1;
	_ =	strace $0x80000047  }
0x6: {  	[tilespmem:s2], [sflag:$0x1] =	stream.linear.gather [hbm4b:s1+s2], $0x100, $0x38;
	[tilespmem:$0x200] =	vst v63  }
0x7: {  	_ =	swait.ge [sflag:s3], $0x100  }
0x8: {  	[sflag:s3] =	ssyncset.done $0x0  }
0x9: {  	[sflag:s3] =	ssyncadd.s32 $0xFFFFFF00  }
0xa: {  	v1 =	vld [tilespmem:$0x0];
	_ =	sdelay $0x1  }
0xb: {  	s6 =	srdreg.scid  }
0xc: {  	s4 =	stileid.u32;
	s6 =	sand.u32 $0x1, s6  }
0xd: {  	s8 =	sshll.u32 s4, $0x5;
	s9 =	sshll.u32 s6, $0x4;
	s30 =	ssub.s32 $0x2, s6  }
0xe: {  	v0 =	vimm.s32 $0x0;
	s8 =	sor.u32 s9, s8;
	s31 =	sshrl.u32 s30, $0x1;
	v1 =	vadd.f32 $+Inf, v1  }
0xf: {  	s5 =	sadd.s32 s5, s8;
	s7 =	sadd.s32 s8, s7;
	s8 =	ssub.s32 s30, s31;
	[tilespmem:$0x180] =	vst v0  }
0x10: {  	s6 =	simm.s32 $0x100;
	s9 =	smax.u32 s8, $0x1;
	[tilespmem:$0x100] =	vst v1  }
0x11: {  	[hbm4b:s5+s2] =	stream.linear.scatter [tilespmem:s6], [sflag:$0x1], $0x80, $0x38;
	[tilespmem:$0x200] =	vst v63  }
0x12: {  	p0 =	sne.s32 s9, $0x1;
	_ =	swait.ge [sflag:s3], $0x80  }
.Ltmp0:
0x13: {  	[sflag:s3] =	ssyncset.done $0x0;
	(pc) =	sbr.rel @!p0 .LBB2_2-.Ltmp0, $4  }
0x14: {  	s7 =	sadd.s32 $0xC00, s7;
	s8 =	simm.s32 $0x180;
	[sflag:s3] =	ssyncadd.s32 $0xFFFFFF80  }
0x15: {  	[hbm4b:s7+s2] =	stream.linear.scatter [tilespmem:s8], [sflag:$0x1], $0x80, $0x38;
	[tilespmem:$0x200] =	vst v63  }
0x16: {  	_ =	swait.ge [sflag:s3], $0x80  }
0x17: {  	s9 =	sadd.s32 $0xFFFFFFFF, s9;
	[sflag:s3] =	ssyncset.done $0x0  }
.LBB2_1:
0x18: {  	p0 =	sne.s32 s9, $0x1;
	s9 =	sadd.s32 $0xFFFFFFFF, s9;
	[sflag:s3] =	ssyncadd.s32 $0xFFFFFF80  }
0x19: {  	[tilespmem:s2], [sflag:$0x1] =	stream.linear.gather [hbm4b:s1+s2], $0x100, $0x38;
	[tilespmem:$0x200] =	vst v63  }
0x1a: {  	_ =	swait.ge [sflag:s3], $0x100  }
0x1b: {  	[sflag:s3] =	ssyncset.done $0x0  }
0x1c: {  	[sflag:s3] =	ssyncadd.s32 $0xFFFFFF00  }
0x1d: {  	v1 =	vld [tilespmem:$0x0];
	[tilespmem:$0x180] =	vst v0;
	_ =	sdelay $0x4  }
0x1e: {  	v1 =	vadd.f32 $+Inf, v1;
	_ =	sdelay $0x1  }
0x1f: {  	[tilespmem:$0x100] =	vst v1  }
0x20: {  	[hbm4b:s5+s2] =	stream.linear.scatter [tilespmem:s6], [sflag:$0x1], $0x80, $0x38;
	[tilespmem:$0x200] =	vst v63  }
0x21: {  	_ =	swait.ge [sflag:s3], $0x80  }
.Ltmp1:
0x22: {  	[sflag:s3] =	ssyncset.done $0x0;
	(pc) =	sbr.rel @p0 .LBB2_1-.Ltmp1, $4  }
0x23: {  	[sflag:s3] =	ssyncadd.s32 $0xFFFFFF80  }
0x24: {  	[hbm4b:s7+s2] =	stream.linear.scatter [tilespmem:s8], [sflag:$0x1], $0x80, $0x38;
	[tilespmem:$0x200] =	vst v63  }
0x25: {  	_ =	swait.ge [sflag:s3], $0x80  }
0x26: {  	[sflag:s3] =	ssyncset.done $0x0  }
.LBB2_2:
0x27: {  	[sflag:s3] =	ssyncadd.s32 $0xFFFFFF80  }
0x28: {  	_ =	sfence.sel $0x180000  }
0x29: {  	[bflag:$0x0] =	sbarrier.arrive $0xFFFF  }
0x2a: {  	p0 =	sne.s32 s4, $0x0;
	_ =	strace $0x90000047  }
0x2b: {  	s0 =	sadd.s32 @!p0 $0x100000, s0;
	[bflag:$0x2] =	sbarrier.arrive $0xFFFF  }
0x2c: {  	[sflag:s0] =	ssyncadd.tile.s32 @!p0 $0x1;
	_ =	shalt  }
.Lfunc_end2:
_tile_overlayer_lowered:
.L_overlay_start_2:
0x2d: {  	(tag) =	ssettag $0x2  }
0x2e: {  	s0 =	rddreg [dreg:$0x0];
	s2 =	stileid.u32  }
0x2f: {  	s1 =	rddreg [dreg:$0x1];
	p0 =	sne.s32 s2, $0x0  }
0x30: {  	s3 =	rddreg [dreg:$0x2];
	[bflag:$0x3] =	sbarrier.arrive $0xFFFF;
	s2 =	simm.s32 @!p0 $0x1C01  }
0x31: {  	[timem:s3], [sflag:s2] =	dma.local @!p0 [hbm:s0], s1  }
0x32: {  	s0 =	simm.s32 @!p0 $0x1  }
0x33: {  	_ =	swait.ge @!p0 [sflag:s0], s1  }
0x34: {  	s1 =	ssub.s32 @!p0 $0x0, s1;
	[sflag:s0] =	ssyncset.done @!p0 $0x0  }
0x35: {  	[sflag:s0] =	ssyncadd.s32 @!p0 s1  }
0x36: {  	[bflag:$0x3] =	sbarrier.arrive $0xFFFF  }
0x37: {  	_ =	shalt  }

</sc_bundles>
